<compile_context>
chip_gen: v7x
topology: tpu7x:2x2x1
jax: 0.10.2.dev20260603
libtpu: 0.0.44.dev20260713+nightly
codegen_flags: <defaults>
</compile_context>

<pallas_src>
import functools

import jax
import jax.numpy as jnp
from jax import lax
from jax.experimental import pallas as pl
from jax.experimental.pallas import tpu as pltpu
from jax.experimental.pallas import tpu_sc as plsc

NUM_CORES = 1
NUM_SUBCORES = 16
LANES = 16
NUM_WORKERS = NUM_CORES * NUM_SUBCORES


def kernel(entity_ids, entity_table):
    (batch,) = entity_ids.shape
    vocab, dim = entity_table.shape
    per_worker = batch // NUM_WORKERS

    ids32 = entity_ids.astype(jnp.int32)
    table_cols = [entity_table[:, d] for d in range(dim)]

    mesh = plsc.VectorSubcoreMesh(
        core_axis_name="c",
        subcore_axis_name="s",
        num_cores=NUM_CORES,
        num_subcores=NUM_SUBCORES,
    )

    @functools.partial(
        pl.kernel,
        out_type=tuple(
            jax.ShapeDtypeStruct((batch,), jnp.float32) for _ in range(dim)
        ),
        mesh=mesh,
        compiler_params=pltpu.CompilerParams(needs_layout_passes=False),
        scratch_types=[pltpu.VMEM((per_worker,), jnp.int32)]
        + [pltpu.VMEM((vocab,), jnp.float32) for _ in range(dim)]
        + [pltpu.VMEM((per_worker,), jnp.float32) for _ in range(dim)]
        + [pltpu.SemaphoreType.DMA],
    )
    def gather_kernel(ids_hbm, t0_hbm, t1_hbm, t2_hbm,
                      c0_hbm, c1_hbm, c2_hbm,
                      ids_v, t0_v, t1_v, t2_v, c0_v, c1_v, c2_v, sem):
        tcols_hbm = (t0_hbm, t1_hbm, t2_hbm)
        tcols_v = (t0_v, t1_v, t2_v)
        cols_hbm = (c0_hbm, c1_hbm, c2_hbm)
        cols_v = (c0_v, c1_v, c2_v)
        wid = lax.axis_index("s") * NUM_CORES + lax.axis_index("c")
        base = wid * per_worker
        in_copies = [
            pltpu.async_copy(ids_hbm.at[pl.ds(base, per_worker)], ids_v, sem)
        ] + [
            pltpu.async_copy(tcols_hbm[d], tcols_v[d], sem) for d in range(dim)
        ]
        for c in in_copies:
            c.wait()

        half = per_worker // 2

        @plsc.parallel_loop(0, half, LANES, unroll=4)
        def body_lo(i):
            rows = ids_v[pl.ds(i, LANES)]
            for d in range(dim):
                cols_v[d][pl.ds(i, LANES)] = plsc.load_gather(
                    tcols_v[d], [rows]
                )

        lo_copies = [
            pltpu.async_copy(
                cols_v[d].at[pl.ds(0, half)],
                cols_hbm[d].at[pl.ds(base, half)],
                sem,
            )
            for d in range(dim)
        ]

        @plsc.parallel_loop(half, per_worker, LANES, unroll=4)
        def body_hi(i):
            rows = ids_v[pl.ds(i, LANES)]
            for d in range(dim):
                cols_v[d][pl.ds(i, LANES)] = plsc.load_gather(
                    tcols_v[d], [rows]
                )

        hi_copies = [
            pltpu.async_copy(
                cols_v[d].at[pl.ds(half, half)],
                cols_hbm[d].at[pl.ds(base + half, half)],
                sem,
            )
            for d in range(dim)
        ]
        for c in lo_copies + hi_copies:
            c.wait()

    cols = gather_kernel(ids32, *table_cols)
    return jnp.stack(cols, axis=1)

# --- scband reference (transcript-rebuilt; emitter-appended) ---
"""Pipeline reference for scband-trans-e-tnorm-16544214024193 (READ-ONLY COPY).

The authoritative reference and input builder live on the scoring server;
editing this copy changes nothing except your own understanding.
"""

import jax, jax.numpy as jnp
import numpy as np

NUM_EMBEDDINGS = 100
EMBED_DIM = 3
BATCH = 16384

def setup_inputs(seed: int = 0) -> dict:
    key = jax.random.key(seed)
    k_idx, k_tab = jax.random.split(key)
    entity_ids = jax.random.randint(k_idx, (BATCH,), 0, NUM_EMBEDDINGS, dtype=jnp.int64) if jax.config.jax_enable_x64 else jax.random.randint(k_idx, (BATCH,), 0, NUM_EMBEDDINGS, dtype=jnp.int32)
    entity_table = jax.random.normal(k_tab, (NUM_EMBEDDINGS, EMBED_DIM), dtype=jnp.float32)
    return {"entity_ids": entity_ids, "entity_table": entity_table}

def reference(entity_ids, entity_table):
    # Faithful translation of TransE_Tnorm.get_entity_embedding:
    #   xe = torch.tensor(entity_ids); return self.entity_embeddings(xe)
    # nn.Embedding lookup == row gather from the embedding table.
    return jnp.take(entity_table, entity_ids, axis=0)

if __name__ == "__main__":
    import jax
    _d = setup_inputs()
    print(jax.jit(kernel)(*tuple(_d.values())))

</pallas_src>

<mosaic_0001>
#map = affine_map<(d0, d1) -> (0)>
module attributes {stable_mosaic.version = 14 : i64} {
  func.func @gather_kernel(%arg0: i32, %arg1: i32, %arg2: memref<16384xi32, #tpu.memory_space<hbm>>, %arg3: memref<100xf32, #tpu.memory_space<hbm>>, %arg4: memref<100xf32, #tpu.memory_space<hbm>>, %arg5: memref<100xf32, #tpu.memory_space<hbm>>, %arg6: memref<16384xf32, #tpu.memory_space<hbm>>, %arg7: memref<16384xf32, #tpu.memory_space<hbm>>, %arg8: memref<16384xf32, #tpu.memory_space<hbm>>, %arg9: memref<1024xi32, #tpu.memory_space<vmem>>, %arg10: memref<100xf32, #tpu.memory_space<vmem>>, %arg11: memref<100xf32, #tpu.memory_space<vmem>>, %arg12: memref<100xf32, #tpu.memory_space<vmem>>, %arg13: memref<1024xf32, #tpu.memory_space<vmem>>, %arg14: memref<1024xf32, #tpu.memory_space<vmem>>, %arg15: memref<1024xf32, #tpu.memory_space<vmem>>, %arg16: memref<!tpu.dma_semaphore, #tpu.memory_space<semaphore_mem>>) attributes {dimension_semantics = [#tpu.dimension_semantics<core_parallel>, #tpu.dimension_semantics<subcore_parallel>], iteration_bounds = array<i64: 1, 16>, scalar_prefetch = 0 : i64, scratch_operands = 8 : i64, tpu.core_type = #tpu.core_type<sc_vector_subcore>, window_params = [{transform_indices = #map}, {transform_indices = #map}, {transform_indices = #map}, {transform_indices = #map}, {transform_indices = #map}, {transform_indices = #map}, {transform_indices = #map}]} {
    %mul3A = arith.constant 1 : i32
    %mul3A_0 = arith.muli %arg1, %mul3A : i32
    %add3A = arith.addi %mul3A_0, %arg0 : i32
    %mul3A_1 = arith.constant 1024 : i32
    %mul3A_2 = arith.muli %add3A, %mul3A_1 : i32
    %dma_start3A = tpu.memref_slice %arg2[%mul3A_2] : memref<16384xi32, #tpu.memory_space<hbm>> -> memref<1024xi32, #tpu.memory_space<hbm>>
    %dma_start3A_3 = tpu.memref_slice %arg2[%mul3A_2] : memref<16384xi32, #tpu.memory_space<hbm>> -> memref<1024xi32, #tpu.memory_space<hbm>>
    tpu.enqueue_dma source(%dma_start3A_3 : memref<1024xi32, #tpu.memory_space<hbm>>) target(%arg9 : memref<1024xi32, #tpu.memory_space<vmem>>) target_semaphore(%arg16 : memref<!tpu.dma_semaphore, #tpu.memory_space<semaphore_mem>>)
    tpu.enqueue_dma source(%arg3 : memref<100xf32, #tpu.memory_space<hbm>>) target(%arg10 : memref<100xf32, #tpu.memory_space<vmem>>) target_semaphore(%arg16 : memref<!tpu.dma_semaphore, #tpu.memory_space<semaphore_mem>>)
    tpu.enqueue_dma source(%arg4 : memref<100xf32, #tpu.memory_space<hbm>>) target(%arg11 : memref<100xf32, #tpu.memory_space<vmem>>) target_semaphore(%arg16 : memref<!tpu.dma_semaphore, #tpu.memory_space<semaphore_mem>>)
    tpu.enqueue_dma source(%arg5 : memref<100xf32, #tpu.memory_space<hbm>>) target(%arg12 : memref<100xf32, #tpu.memory_space<vmem>>) target_semaphore(%arg16 : memref<!tpu.dma_semaphore, #tpu.memory_space<semaphore_mem>>)
    %dma_wait3A = tpu.memref_slice %arg2[%mul3A_2] : memref<16384xi32, #tpu.memory_space<hbm>> -> memref<1024xi32, #tpu.memory_space<hbm>>
    %dma_wait3A_4 = tpu.memref_slice %arg2[%mul3A_2] : memref<16384xi32, #tpu.memory_space<hbm>> -> memref<1024xi32, #tpu.memory_space<hbm>>
    tpu.wait_dma2 semaphore(%arg16 : memref<!tpu.dma_semaphore, #tpu.memory_space<semaphore_mem>>) src(%dma_wait3A_4 : memref<1024xi32, #tpu.memory_space<hbm>>) dst(%arg9 : memref<1024xi32, #tpu.memory_space<vmem>>)
    tpu.wait_dma2 semaphore(%arg16 : memref<!tpu.dma_semaphore, #tpu.memory_space<semaphore_mem>>) src(%arg3 : memref<100xf32, #tpu.memory_space<hbm>>) dst(%arg10 : memref<100xf32, #tpu.memory_space<vmem>>)
    tpu.wait_dma2 semaphore(%arg16 : memref<!tpu.dma_semaphore, #tpu.memory_space<semaphore_mem>>) src(%arg4 : memref<100xf32, #tpu.memory_space<hbm>>) dst(%arg11 : memref<100xf32, #tpu.memory_space<vmem>>)
    tpu.wait_dma2 semaphore(%arg16 : memref<!tpu.dma_semaphore, #tpu.memory_space<semaphore_mem>>) src(%arg5 : memref<100xf32, #tpu.memory_space<hbm>>) dst(%arg12 : memref<100xf32, #tpu.memory_space<vmem>>)
    %parallel_loop3A = arith.constant 0 : i32
    %parallel_loop3A_5 = arith.constant 512 : i32
    %parallel_loop3A_6 = arith.constant 16 : i32
    scf.for %parallel_loop3A_88 = %parallel_loop3A to %parallel_loop3A_5 step %parallel_loop3A_6  : i32 {
      %parallel_loop3A_89 = arith.index_cast %parallel_loop3A_88 : i32 to index
      %parallel_loop3A_90 = tpu.vector_load %arg9[%parallel_loop3A_89] {strides = array<i32>} : memref<1024xi32, #tpu.memory_space<vmem>>, vector<16xi32>,
      %parallel_loop3A_91 = tpu.vector_load_idx %arg10[%parallel_loop3A_90] : memref<100xf32, #tpu.memory_space<vmem>>[vector<16xi32>], vector<16xf32>,
      %parallel_loop3A_92 = arith.index_cast %parallel_loop3A_88 : i32 to index
      %parallel_loop3A_93 = tpu.vector_load %arg13[%parallel_loop3A_92] {strides = array<i32>} : memref<1024xf32, #tpu.memory_space<vmem>>, vector<16xf32>,
      tpu.vector_store %arg13[%parallel_loop3A_92], %parallel_loop3A_91 {strides = array<i32>} : memref<1024xf32, #tpu.memory_space<vmem>>, vector<16xf32>,
      %parallel_loop3A_94 = tpu.vector_load_idx %arg11[%parallel_loop3A_90] : memref<100xf32, #tpu.memory_space<vmem>>[vector<16xi32>], vector<16xf32>,
      %parallel_loop3A_95 = arith.index_cast %parallel_loop3A_88 : i32 to index
      %parallel_loop3A_96 = tpu.vector_load %arg14[%parallel_loop3A_95] {strides = array<i32>} : memref<1024xf32, #tpu.memory_space<vmem>>, vector<16xf32>,
      tpu.vector_store %arg14[%parallel_loop3A_95], %parallel_loop3A_94 {strides = array<i32>} : memref<1024xf32, #tpu.memory_space<vmem>>, vector<16xf32>,
      %parallel_loop3A_97 = tpu.vector_load_idx %arg12[%parallel_loop3A_90] : memref<100xf32, #tpu.memory_space<vmem>>[vector<16xi32>], vector<16xf32>,
      %parallel_loop3A_98 = arith.index_cast %parallel_loop3A_88 : i32 to index
      %parallel_loop3A_99 = tpu.vector_load %arg15[%parallel_loop3A_98] {strides = array<i32>} : memref<1024xf32, #tpu.memory_space<vmem>>, vector<16xf32>,
      tpu.vector_store %arg15[%parallel_loop3A_98], %parallel_loop3A_97 {strides = array<i32>} : memref<1024xf32, #tpu.memory_space<vmem>>, vector<16xf32>,
    } {sc.loop_unroll_factor = 4 : i64, sc.parallel_access}
    %dma_start3A_7 = arith.constant 0 : i32
    %dma_start3A_8 = tpu.memref_slice %arg13[%dma_start3A_7] : memref<1024xf32, #tpu.memory_space<vmem>> -> memref<512xf32, #tpu.memory_space<vmem>>
    %dma_start3A_9 = tpu.memref_slice %arg6[%mul3A_2] : memref<16384xf32, #tpu.memory_space<hbm>> -> memref<512xf32, #tpu.memory_space<hbm>>
    %dma_start3A_10 = tpu.memref_slice %arg6[%mul3A_2] : memref<16384xf32, #tpu.memory_space<hbm>> -> memref<512xf32, #tpu.memory_space<hbm>>
    %dma_start3A_11 = arith.constant 0 : i32
    %dma_start3A_12 = tpu.memref_slice %arg13[%dma_start3A_11] : memref<1024xf32, #tpu.memory_space<vmem>> -> memref<512xf32, #tpu.memory_space<vmem>>
    tpu.enqueue_dma source(%dma_start3A_12 : memref<512xf32, #tpu.memory_space<vmem>>) target(%dma_start3A_10 : memref<512xf32, #tpu.memory_space<hbm>>) target_semaphore(%arg16 : memref<!tpu.dma_semaphore, #tpu.memory_space<semaphore_mem>>)
    %dma_start3A_13 = arith.constant 0 : i32
    %dma_start3A_14 = tpu.memref_slice %arg14[%dma_start3A_13] : memref<1024xf32, #tpu.memory_space<vmem>> -> memref<512xf32, #tpu.memory_space<vmem>>
    %dma_start3A_15 = tpu.memref_slice %arg7[%mul3A_2] : memref<16384xf32, #tpu.memory_space<hbm>> -> memref<512xf32, #tpu.memory_space<hbm>>
    %dma_start3A_16 = tpu.memref_slice %arg7[%mul3A_2] : memref<16384xf32, #tpu.memory_space<hbm>> -> memref<512xf32, #tpu.memory_space<hbm>>
    %dma_start3A_17 = arith.constant 0 : i32
    %dma_start3A_18 = tpu.memref_slice %arg14[%dma_start3A_17] : memref<1024xf32, #tpu.memory_space<vmem>> -> memref<512xf32, #tpu.memory_space<vmem>>
    tpu.enqueue_dma source(%dma_start3A_18 : memref<512xf32, #tpu.memory_space<vmem>>) target(%dma_start3A_16 : memref<512xf32, #tpu.memory_space<hbm>>) target_semaphore(%arg16 : memref<!tpu.dma_semaphore, #tpu.memory_space<semaphore_mem>>)
    %dma_start3A_19 = arith.constant 0 : i32
    %dma_start3A_20 = tpu.memref_slice %arg15[%dma_start3A_19] : memref<1024xf32, #tpu.memory_space<vmem>> -> memref<512xf32, #tpu.memory_space<vmem>>
    %dma_start3A_21 = tpu.memref_slice %arg8[%mul3A_2] : memref<16384xf32, #tpu.memory_space<hbm>> -> memref<512xf32, #tpu.memory_space<hbm>>
    %dma_start3A_22 = tpu.memref_slice %arg8[%mul3A_2] : memref<16384xf32, #tpu.memory_space<hbm>> -> memref<512xf32, #tpu.memory_space<hbm>>
    %dma_start3A_23 = arith.constant 0 : i32
    %dma_start3A_24 = tpu.memref_slice %arg15[%dma_start3A_23] : memref<1024xf32, #tpu.memory_space<vmem>> -> memref<512xf32, #tpu.memory_space<vmem>>
    tpu.enqueue_dma source(%dma_start3A_24 : memref<512xf32, #tpu.memory_space<vmem>>) target(%dma_start3A_22 : memref<512xf32, #tpu.memory_space<hbm>>) target_semaphore(%arg16 : memref<!tpu.dma_semaphore, #tpu.memory_space<semaphore_mem>>)
    %parallel_loop3A_25 = arith.constant 512 : i32
    %parallel_loop3A_26 = arith.constant 1024 : i32
    %parallel_loop3A_27 = arith.constant 16 : i32
    scf.for %parallel_loop3A_88 = %parallel_loop3A_25 to %parallel_loop3A_26 step %parallel_loop3A_27  : i32 {
      %parallel_loop3A_89 = arith.index_cast %parallel_loop3A_88 : i32 to index
      %parallel_loop3A_90 = tpu.vector_load %arg9[%parallel_loop3A_89] {strides = array<i32>} : memref<1024xi32, #tpu.memory_space<vmem>>, vector<16xi32>,
      %parallel_loop3A_91 = tpu.vector_load_idx %arg10[%parallel_loop3A_90] : memref<100xf32, #tpu.memory_space<vmem>>[vector<16xi32>], vector<16xf32>,
      %parallel_loop3A_92 = arith.index_cast %parallel_loop3A_88 : i32 to index
      %parallel_loop3A_93 = tpu.vector_load %arg13[%parallel_loop3A_92] {strides = array<i32>} : memref<1024xf32, #tpu.memory_space<vmem>>, vector<16xf32>,
      tpu.vector_store %arg13[%parallel_loop3A_92], %parallel_loop3A_91 {strides = array<i32>} : memref<1024xf32, #tpu.memory_space<vmem>>, vector<16xf32>,
      %parallel_loop3A_94 = tpu.vector_load_idx %arg11[%parallel_loop3A_90] : memref<100xf32, #tpu.memory_space<vmem>>[vector<16xi32>], vector<16xf32>,
      %parallel_loop3A_95 = arith.index_cast %parallel_loop3A_88 : i32 to index
      %parallel_loop3A_96 = tpu.vector_load %arg14[%parallel_loop3A_95] {strides = array<i32>} : memref<1024xf32, #tpu.memory_space<vmem>>, vector<16xf32>,
      tpu.vector_store %arg14[%parallel_loop3A_95], %parallel_loop3A_94 {strides = array<i32>} : memref<1024xf32, #tpu.memory_space<vmem>>, vector<16xf32>,
      %parallel_loop3A_97 = tpu.vector_load_idx %arg12[%parallel_loop3A_90] : memref<100xf32, #tpu.memory_space<vmem>>[vector<16xi32>], vector<16xf32>,
      %parallel_loop3A_98 = arith.index_cast %parallel_loop3A_88 : i32 to index
      %parallel_loop3A_99 = tpu.vector_load %arg15[%parallel_loop3A_98] {strides = array<i32>} : memref<1024xf32, #tpu.memory_space<vmem>>, vector<16xf32>,
      tpu.vector_store %arg15[%parallel_loop3A_98], %parallel_loop3A_97 {strides = array<i32>} : memref<1024xf32, #tpu.memory_space<vmem>>, vector<16xf32>,
    } {sc.loop_unroll_factor = 4 : i64, sc.parallel_access}
    %add3A_28 = arith.constant 512 : i32
    %add3A_29 = arith.addi %mul3A_2, %add3A_28 : i32
    %dma_start3A_30 = arith.constant 512 : i32
    %dma_start3A_31 = tpu.memref_slice %arg13[%dma_start3A_30] : memref<1024xf32, #tpu.memory_space<vmem>> -> memref<512xf32, #tpu.memory_space<vmem>>
    %dma_start3A_32 = tpu.memref_slice %arg6[%add3A_29] : memref<16384xf32, #tpu.memory_space<hbm>> -> memref<512xf32, #tpu.memory_space<hbm>>
    %dma_start3A_33 = tpu.memref_slice %arg6[%add3A_29] : memref<16384xf32, #tpu.memory_space<hbm>> -> memref<512xf32, #tpu.memory_space<hbm>>
    %dma_start3A_34 = arith.constant 512 : i32
    %dma_start3A_35 = tpu.memref_slice %arg13[%dma_start3A_34] : memref<1024xf32, #tpu.memory_space<vmem>> -> memref<512xf32, #tpu.memory_space<vmem>>
    tpu.enqueue_dma source(%dma_start3A_35 : memref<512xf32, #tpu.memory_space<vmem>>) target(%dma_start3A_33 : memref<512xf32, #tpu.memory_space<hbm>>) target_semaphore(%arg16 : memref<!tpu.dma_semaphore, #tpu.memory_space<semaphore_mem>>)
    %add3A_36 = arith.constant 512 : i32
    %add3A_37 = arith.addi %mul3A_2, %add3A_36 : i32
    %dma_start3A_38 = arith.constant 512 : i32
    %dma_start3A_39 = tpu.memref_slice %arg14[%dma_start3A_38] : memref<1024xf32, #tpu.memory_space<vmem>> -> memref<512xf32, #tpu.memory_space<vmem>>
    %dma_start3A_40 = tpu.memref_slice %arg7[%add3A_37] : memref<16384xf32, #tpu.memory_space<hbm>> -> memref<512xf32, #tpu.memory_space<hbm>>
    %dma_start3A_41 = tpu.memref_slice %arg7[%add3A_37] : memref<16384xf32, #tpu.memory_space<hbm>> -> memref<512xf32, #tpu.memory_space<hbm>>
    %dma_start3A_42 = arith.constant 512 : i32
    %dma_start3A_43 = tpu.memref_slice %arg14[%dma_start3A_42] : memref<1024xf32, #tpu.memory_space<vmem>> -> memref<512xf32, #tpu.memory_space<vmem>>
    tpu.enqueue_dma source(%dma_start3A_43 : memref<512xf32, #tpu.memory_space<vmem>>) target(%dma_start3A_41 : memref<512xf32, #tpu.memory_space<hbm>>) target_semaphore(%arg16 : memref<!tpu.dma_semaphore, #tpu.memory_space<semaphore_mem>>)
    %add3A_44 = arith.constant 512 : i32
    %add3A_45 = arith.addi %mul3A_2, %add3A_44 : i32
    %dma_start3A_46 = arith.constant 512 : i32
    %dma_start3A_47 = tpu.memref_slice %arg15[%dma_start3A_46] : memref<1024xf32, #tpu.memory_space<vmem>> -> memref<512xf32, #tpu.memory_space<vmem>>
    %dma_start3A_48 = tpu.memref_slice %arg8[%add3A_45] : memref<16384xf32, #tpu.memory_space<hbm>> -> memref<512xf32, #tpu.memory_space<hbm>>
    %dma_start3A_49 = tpu.memref_slice %arg8[%add3A_45] : memref<16384xf32, #tpu.memory_space<hbm>> -> memref<512xf32, #tpu.memory_space<hbm>>
    %dma_start3A_50 = arith.constant 512 : i32
    %dma_start3A_51 = tpu.memref_slice %arg15[%dma_start3A_50] : memref<1024xf32, #tpu.memory_space<vmem>> -> memref<512xf32, #tpu.memory_space<vmem>>
    tpu.enqueue_dma source(%dma_start3A_51 : memref<512xf32, #tpu.memory_space<vmem>>) target(%dma_start3A_49 : memref<512xf32, #tpu.memory_space<hbm>>) target_semaphore(%arg16 : memref<!tpu.dma_semaphore, #tpu.memory_space<semaphore_mem>>)
    %dma_wait3A_52 = arith.constant 0 : i32
    %dma_wait3A_53 = tpu.memref_slice %arg13[%dma_wait3A_52] : memref<1024xf32, #tpu.memory_space<vmem>> -> memref<512xf32, #tpu.memory_space<vmem>>
    %dma_wait3A_54 = tpu.memref_slice %arg6[%mul3A_2] : memref<16384xf32, #tpu.memory_space<hbm>> -> memref<512xf32, #tpu.memory_space<hbm>>
    %dma_wait3A_55 = tpu.memref_slice %arg6[%mul3A_2] : memref<16384xf32, #tpu.memory_space<hbm>> -> memref<512xf32, #tpu.memory_space<hbm>>
    %dma_wait3A_56 = arith.constant 0 : i32
    %dma_wait3A_57 = tpu.memref_slice %arg13[%dma_wait3A_56] : memref<1024xf32, #tpu.memory_space<vmem>> -> memref<512xf32, #tpu.memory_space<vmem>>
    tpu.wait_dma2 semaphore(%arg16 : memref<!tpu.dma_semaphore, #tpu.memory_space<semaphore_mem>>) src(%dma_wait3A_57 : memref<512xf32, #tpu.memory_space<vmem>>) dst(%dma_wait3A_55 : memref<512xf32, #tpu.memory_space<hbm>>)
    %dma_wait3A_58 = arith.constant 0 : i32
    %dma_wait3A_59 = tpu.memref_slice %arg14[%dma_wait3A_58] : memref<1024xf32, #tpu.memory_space<vmem>> -> memref<512xf32, #tpu.memory_space<vmem>>
    %dma_wait3A_60 = tpu.memref_slice %arg7[%mul3A_2] : memref<16384xf32, #tpu.memory_space<hbm>> -> memref<512xf32, #tpu.memory_space<hbm>>
    %dma_wait3A_61 = tpu.memref_slice %arg7[%mul3A_2] : memref<16384xf32, #tpu.memory_space<hbm>> -> memref<512xf32, #tpu.memory_space<hbm>>
    %dma_wait3A_62 = arith.constant 0 : i32
    %dma_wait3A_63 = tpu.memref_slice %arg14[%dma_wait3A_62] : memref<1024xf32, #tpu.memory_space<vmem>> -> memref<512xf32, #tpu.memory_space<vmem>>
    tpu.wait_dma2 semaphore(%arg16 : memref<!tpu.dma_semaphore, #tpu.memory_space<semaphore_mem>>) src(%dma_wait3A_63 : memref<512xf32, #tpu.memory_space<vmem>>) dst(%dma_wait3A_61 : memref<512xf32, #tpu.memory_space<hbm>>)
    %dma_wait3A_64 = arith.constant 0 : i32
    %dma_wait3A_65 = tpu.memref_slice %arg15[%dma_wait3A_64] : memref<1024xf32, #tpu.memory_space<vmem>> -> memref<512xf32, #tpu.memory_space<vmem>>
    %dma_wait3A_66 = tpu.memref_slice %arg8[%mul3A_2] : memref<16384xf32, #tpu.memory_space<hbm>> -> memref<512xf32, #tpu.memory_space<hbm>>
    %dma_wait3A_67 = tpu.memref_slice %arg8[%mul3A_2] : memref<16384xf32, #tpu.memory_space<hbm>> -> memref<512xf32, #tpu.memory_space<hbm>>
    %dma_wait3A_68 = arith.constant 0 : i32
    %dma_wait3A_69 = tpu.memref_slice %arg15[%dma_wait3A_68] : memref<1024xf32, #tpu.memory_space<vmem>> -> memref<512xf32, #tpu.memory_space<vmem>>
    tpu.wait_dma2 semaphore(%arg16 : memref<!tpu.dma_semaphore, #tpu.memory_space<semaphore_mem>>) src(%dma_wait3A_69 : memref<512xf32, #tpu.memory_space<vmem>>) dst(%dma_wait3A_67 : memref<512xf32, #tpu.memory_space<hbm>>)
    %dma_wait3A_70 = arith.constant 512 : i32
    %dma_wait3A_71 = tpu.memref_slice %arg13[%dma_wait3A_70] : memref<1024xf32, #tpu.memory_space<vmem>> -> memref<512xf32, #tpu.memory_space<vmem>>
    %dma_wait3A_72 = tpu.memref_slice %arg6[%add3A_29] : memref<16384xf32, #tpu.memory_space<hbm>> -> memref<512xf32, #tpu.memory_space<hbm>>
    %dma_wait3A_73 = tpu.memref_slice %arg6[%add3A_29] : memref<16384xf32, #tpu.memory_space<hbm>> -> memref<512xf32, #tpu.memory_space<hbm>>
    %dma_wait3A_74 = arith.constant 512 : i32
    %dma_wait3A_75 = tpu.memref_slice %arg13[%dma_wait3A_74] : memref<1024xf32, #tpu.memory_space<vmem>> -> memref<512xf32, #tpu.memory_space<vmem>>
    tpu.wait_dma2 semaphore(%arg16 : memref<!tpu.dma_semaphore, #tpu.memory_space<semaphore_mem>>) src(%dma_wait3A_75 : memref<512xf32, #tpu.memory_space<vmem>>) dst(%dma_wait3A_73 : memref<512xf32, #tpu.memory_space<hbm>>)
    %dma_wait3A_76 = arith.constant 512 : i32
    %dma_wait3A_77 = tpu.memref_slice %arg14[%dma_wait3A_76] : memref<1024xf32, #tpu.memory_space<vmem>> -> memref<512xf32, #tpu.memory_space<vmem>>
    %dma_wait3A_78 = tpu.memref_slice %arg7[%add3A_37] : memref<16384xf32, #tpu.memory_space<hbm>> -> memref<512xf32, #tpu.memory_space<hbm>>
    %dma_wait3A_79 = tpu.memref_slice %arg7[%add3A_37] : memref<16384xf32, #tpu.memory_space<hbm>> -> memref<512xf32, #tpu.memory_space<hbm>>
    %dma_wait3A_80 = arith.constant 512 : i32
    %dma_wait3A_81 = tpu.memref_slice %arg14[%dma_wait3A_80] : memref<1024xf32, #tpu.memory_space<vmem>> -> memref<512xf32, #tpu.memory_space<vmem>>
    tpu.wait_dma2 semaphore(%arg16 : memref<!tpu.dma_semaphore, #tpu.memory_space<semaphore_mem>>) src(%dma_wait3A_81 : memref<512xf32, #tpu.memory_space<vmem>>) dst(%dma_wait3A_79 : memref<512xf32, #tpu.memory_space<hbm>>)
    %dma_wait3A_82 = arith.constant 512 : i32
    %dma_wait3A_83 = tpu.memref_slice %arg15[%dma_wait3A_82] : memref<1024xf32, #tpu.memory_space<vmem>> -> memref<512xf32, #tpu.memory_space<vmem>>
    %dma_wait3A_84 = tpu.memref_slice %arg8[%add3A_45] : memref<16384xf32, #tpu.memory_space<hbm>> -> memref<512xf32, #tpu.memory_space<hbm>>
    %dma_wait3A_85 = tpu.memref_slice %arg8[%add3A_45] : memref<16384xf32, #tpu.memory_space<hbm>> -> memref<512xf32, #tpu.memory_space<hbm>>
    %dma_wait3A_86 = arith.constant 512 : i32
    %dma_wait3A_87 = tpu.memref_slice %arg15[%dma_wait3A_86] : memref<1024xf32, #tpu.memory_space<vmem>> -> memref<512xf32, #tpu.memory_space<vmem>>
    tpu.wait_dma2 semaphore(%arg16 : memref<!tpu.dma_semaphore, #tpu.memory_space<semaphore_mem>>) src(%dma_wait3A_87 : memref<512xf32, #tpu.memory_space<vmem>>) dst(%dma_wait3A_85 : memref<512xf32, #tpu.memory_space<hbm>>)
    return
  }
}

</mosaic_0001>

<sc_bundles>
// kernel: kernel.3.cloned.1.call-start
scs
__scs_entry_jumppad:
0x0: {  	(pc) =	sbr.rel $0x88, $3  }
0x1: {  	(tag) =	ssettag $0x0;
	lr =	simm.s32 $0x1  }
0x2: {  	[smem:$0x3F9F] =	sst lr;
	_ =	strace $0xD0000000  }
0x3: {  	_ = 	snop  }
0x4: {  	_ = 	snop  }
0x5: {  	_ = 	snop  }
0x6: {  	_ = 	snop  }
0x7: {  	_ = 	snop  }
__scs_overlays_trampoline_lowered:
0x8: {  	[smem:$0x3FAE] =	sst s0  }
0x9: {  	[smem:$0x3FAF] =	sst s1  }
0xa: {  	[smem:$0x3FB0] =	sst s2  }
0xb: {  	[smem:$0x3FB1] =	sst s3  }
0xc: {  	[smem:$0x3FB2] =	sst s4  }
0xd: {  	[smem:$0x3FB3] =	sst s5  }
0xe: {  	[smem:$0x3FB4] =	sst s6  }
0xf: {  	[smem:$0x3FB5] =	sst s7  }
0x10: {  	[smem:$0x3FB6] =	sst s8  }
0x11: {  	[smem:$0x3FB7] =	sst s9;
	s0 =	simm.s32 @!p0 $0x0  }
0x12: {  	s1 =	sld [smem:$0x3F9D];
	s0 =	simm.s32 @p0 $0x1  }
0x13: {  	[smem:$0x3FB8] =	sst s0;
	s0 =	simm.s32 @!p1 $0x0  }
0x14: {  	s2 =	sld [smem:$0x3F9C];
	s0 =	simm.s32 @p1 $0x1  }
0x15: {  	[smem:$0x3FB9] =	sst s0;
	s0 =	simm.s32 @!p2 $0x0  }
0x16: {  	s3 =	sld [smem:$0x3FDB];
	s0 =	simm.s32 @p2 $0x1  }
0x17: {  	s4 =	simm.s32 $0x1BF5;
	[smem:$0x3FBB] =	sst s0  }
0x18: {  	s0 =	sld [smem:$0x3F9E];
	_ =	swait.ge [sflag:s4], $0x0  }
0x19: {  	s7 =	sld [smem:$0x3F9F]  }
0x1a: {  	s8 =	sadd.s32 $0xFFFFE003, lr  }
0x1b: {  	s9 =	sadd.s32 $0xFFFFFEF7, lr;
	s5 =	simm.s32 $0xFFFFFFFF;
	p2 =	slt.u32 s8, $0xFFFFF086  }
0x1c: {  	p1 =	slt.u32 s9, $0xF7A;
	s5 =	simm.s32 @!p2 $0x0  }
0x1d: {  	s5 =	simm.s32 @p1 $0x1;
	p0 =	seq.s32 s7, s2  }
0x1e: {  	s7 =	smul.u32 @!p0 $0xF7A, s2;
	p2 =	seq.s32 @!p0 s5, $0x0  }
0x1f: {  	s9 =	smul.u32 $0xF7A, s1;
	s8 =	simm.s32 @!p0 $0x1BF5;
	p2 =	por !p2, p0  }
0x20: {  	[sflag:s8] =	ssyncset.s32 @!p0 $0xFFFFF086;
	s6 =	sadd.s32 @!p0 s3, s7;
	s7 =	simm.s32 @!p0 $0x108  }
0x21: {  	s3 =	sadd.s32 s3, s9;
	s6 =	sadd.s32 @!p0 $0x88, s6;
	s7 =	simm.s32 @p2 $0x1082  }
0x22: {  	[simem:s7], [sflag:s8] =	dma.local @!p0 [hbm:s6], $0xF7A  }
0x23: {  	s9 =	sor.u32 $0xD0000000, s2;
	s6 =	simm.s32 $0x108;
	_ =	swait.ge @!p0 [sflag:s8], $0x0  }
0x24: {  	s3 =	sadd.s32 $0x88, s3;
	s6 =	simm.s32 @!p1 $0x1082;
	[sflag:s4] =	ssyncset.s32 $0xFFFFF086  }
0x25: {  	[simem:s6], [sflag:s4] =	dma.local [hbm:s3], $0xF7A  }
0x26: {  	[smem:$0x3F9F] =	sst s1;
	(tag) =	ssettag s2;
	_ =	strace s9  }
0x27: {  	s1 =	sld [smem:$0x3FAF]  }
0x28: {  	s2 =	sld [smem:$0x3FB0]  }
0x29: {  	s4 =	sld [smem:$0x3FB2]  }
0x2a: {  	p0 =	seq.s32 s5, $0x0;
	s5 =	sld [smem:$0x3FB3]  }
0x2b: {  	s6 =	sld [smem:$0x3FB4]  }
0x2c: {  	s7 =	sld [smem:$0x3FB5]  }
0x2d: {  	s3 =	simm.s32 $0x108;
	s8 =	sld [smem:$0x3FB6]  }
0x2e: {  	s3 =	simm.s32 @!p0 $0x1082;
	s9 =	sld [smem:$0x3FB7]  }
0x2f: {  	lr =	sadd.s32 s0, s3;
	s0 =	sld [smem:$0x3FAE]  }
0x30: {  	s3 =	sld [smem:$0x3FB1]  }
0x31: {  	[smem:$0x3FBA] =	sst s10  }
0x32: {  	s10 =	sld [smem:$0x3FB8];
	_ =	sdelay $0x3  }
0x33: {  	p0 =	seq.s32 s10, $0x1;
	s10 =	sld [smem:$0x3FBA];
	_ =	sdelay $0x3  }
0x34: {  	[smem:$0x3FBA] =	sst s10  }
0x35: {  	s10 =	sld [smem:$0x3FB9];
	_ =	sdelay $0x3  }
0x36: {  	p1 =	seq.s32 s10, $0x1;
	s10 =	sld [smem:$0x3FBA];
	_ =	sdelay $0x3  }
0x37: {  	[smem:$0x3FBA] =	sst s10  }
0x38: {  	s10 =	sld [smem:$0x3FBB]  }
0x39: {  	_ = 	snop;
	(pc) =	sbr.ind lr, $3  }
0x3a: {  	_ = 	snop  }
0x3b: {  	_ = 	snop  }
0x3c: {  	p2 =	seq.s32 s10, $0x1;
	s10 =	sld [smem:$0x3FBA]  }
0x3d: {  	_ =	shalt  }
0x3e: {  	_ =	shalt  }
0x3f: {  	_ =	shalt  }
0x40: {  	_ =	shalt  }
0x41: {  	_ =	shalt  }
0x42: {  	_ =	shalt  }
0x43: {  	_ =	shalt  }
0x44: {  	_ =	shalt  }
0x45: {  	_ =	shalt  }
0x46: {  	_ =	shalt  }
0x47: {  	_ =	shalt  }
0x48: {  	_ =	shalt  }
0x49: {  	_ =	shalt  }
0x4a: {  	_ =	shalt  }
0x4b: {  	_ =	shalt  }
0x4c: {  	_ =	shalt  }
0x4d: {  	_ =	shalt  }
0x4e: {  	_ =	shalt  }
0x4f: {  	_ =	shalt  }
0x50: {  	_ =	shalt  }
0x51: {  	_ =	shalt  }
0x52: {  	_ =	shalt  }
0x53: {  	_ =	shalt  }
0x54: {  	_ =	shalt  }
0x55: {  	_ =	shalt  }
0x56: {  	_ =	shalt  }
0x57: {  	_ =	shalt  }
0x58: {  	_ =	shalt  }
0x59: {  	_ =	shalt  }
0x5a: {  	_ =	shalt  }
0x5b: {  	_ =	shalt  }
0x5c: {  	_ =	shalt  }
0x5d: {  	_ =	shalt  }
0x5e: {  	_ =	shalt  }
0x5f: {  	_ =	shalt  }
0x60: {  	_ =	shalt  }
0x61: {  	_ =	shalt  }
0x62: {  	_ =	shalt  }
0x63: {  	_ =	shalt  }
0x64: {  	_ =	shalt  }
0x65: {  	_ =	shalt  }
0x66: {  	_ =	shalt  }
0x67: {  	_ =	shalt  }
0x68: {  	_ =	shalt  }
0x69: {  	_ =	shalt  }
0x6a: {  	_ =	shalt  }
0x6b: {  	_ =	shalt  }
0x6c: {  	_ =	shalt  }
0x6d: {  	_ =	shalt  }
0x6e: {  	_ =	shalt  }
0x6f: {  	_ =	shalt  }
0x70: {  	_ =	shalt  }
0x71: {  	_ =	shalt  }
0x72: {  	_ =	shalt  }
0x73: {  	_ =	shalt  }
0x74: {  	_ =	shalt  }
0x75: {  	_ =	shalt  }
0x76: {  	_ =	shalt  }
0x77: {  	_ =	shalt  }
0x78: {  	_ =	shalt  }
0x79: {  	_ =	shalt  }
0x7a: {  	_ =	shalt  }
0x7b: {  	_ =	shalt  }
0x7c: {  	_ =	shalt  }
0x7d: {  	_ =	shalt  }
0x7e: {  	_ =	shalt  }
0x7f: {  	_ =	shalt  }
0x80: {  	_ =	shalt  }
0x81: {  	_ =	shalt  }
0x82: {  	_ =	shalt  }
0x83: {  	_ =	shalt  }
0x84: {  	_ =	shalt  }
0x85: {  	_ =	shalt  }
0x86: {  	_ =	shalt  }
0x87: {  	_ =	shalt  }
.Lfunc_end0:
.L_simem_size_0:
called_computation_lowered:
.L_overlay_start_0:
0x88: {  	s0 =	sld [smem:$0x3FD9]  }
0x89: {  	s1 =	sld [smem:$0x3FFE];
	_ =	sdelay $0x3  }
0x8a: {  	s0 =	sadd.s32 s1, s0  }
0x8b: {  	[smem:$0x3FC6] =	sst s0  }
0x8c: {  	_ = 	snop  }
0x8d: {  	s0 =	sld [smem:$0x3FC9]  }
0x8e: {  	s16 =	sld [smem:$0x3FD0];
	(tm) =	ssettm $0x1  }
0x8f: {  	s2 =	sld [smem:$0x3FFB];
	_ =	sdelay $0x3  }
0x90: {  	_ =	strace s2  }
0x91: {  	s2 =	sld [smem:$0x3FFC];
	_ =	sdelay $0x3  }
0x92: {  	_ =	strace s2  }
0x93: {  	s2 =	sld [smem:$0x3FFD];
	_ =	sdelay $0x3  }
0x94: {  	_ =	strace s2  }
0x95: {  	_ =	strace $0x8FFFFFFF  }
0x96: {  	s17 =	sld [smem:$0x3FDB];
	_ =	sdelay $0x1  }
0x97: {  	s3 =	simm.s32 $_scs_section_size  }
0x98: {  	s4 =	simm.s32 $_size__tile_overlayer_lowered;
	s5 =	simm.s32 $_tile_overlayer_lowered  }
0x99: {  	s20 =	simm.s32 $0x1BFF;
	s19 =	sshll.u32 s5, $0x1;
	s2 =	sadd.s32 s3, s17  }
0x9a: {  	s6 =	simm.s32 $0x0;
	s18 =	sshll.u32 s4, $0x1;
	s4 =	sadd.s32 s19, s2  }
0x9b: {  	[timem:s6], [sflag:s20] =	dma.local [hbm:s4], s18  }
0x9c: {  	_ =	swait.ge [sflag:s20], s18  }
0x9d: {  	s3 =	ssub.s32 $0x0, s18;
	[sflag:s20] =	ssyncset.done $0x0  }
0x9e: {  	[sflag:s20] =	ssyncadd.s32 s3;
	_ =	sdelay $0x1  }
0x9f: {  	s21 =	simm.s32 $0x1B8B  }
0xa0: {  	_ =	swait.ge [sflag:s21], $0x1  }
0xa1: {  	[sflag:s21] =	ssyncset.done $0x0  }
0xa2: {  	s23 =	simm.s32 $0x1B8E;
	s22 =	sld [smem:$0x3FFE];
	[sflag:s21] =	ssyncadd.s32 $0xFFFFFFFF  }
0xa3: {  	s24 =	simm.s32 $execute0_lowered;
	[smem:$0x3FD2] =	sst s23  }
0xa4: {  	s4 =	sshll.u32 s24, $0x1;
	_ =	strace $0x80000046;
	[dreg:$0x1] =	wrdreg $0xFFFFFFFF  }
0xa5: {  	s25 =	simm.s32 $_size_execute0_lowered;
	s2 =	sadd.s32 s2, s4;
	[dreg:$0x0] =	wrdreg $0x0  }
0xa6: {  	s4 =	sshll.u32 s25, $0x1;
	[dreg:$0x2] =	wrdreg s2  }
0xa7: {  	[dreg:$0x3] =	wrdreg s4  }
0xa8: {  	[dreg:$0x4] =	wrdreg $0xC0  }
0xa9: {  	_ =	task [dreg:s6], $0x5FFFF  }
0xaa: {  	[dreg:$0x1] =	wrdreg $0xFFFFFFFF  }
0xab: {  	[dreg:$0x0] =	wrdreg $0x60  }
0xac: {  	[dreg:$0x2] =	wrdreg s0  }
0xad: {  	[dreg:$0x3] =	wrdreg s22  }
0xae: {  	[dreg:$0x4] =	wrdreg s16  }
0xaf: {  	[dreg:$0x5] =	wrdreg $0x9  }
0xb0: {  	_ =	task.clear_ibuf [dreg:s6], $0x6FFFF;
	_ =	strace $0x90000046  }
0xb1: {  	s26 =	simm.s32 $0x9;
	_ =	strace $0x80000048  }
0xb2: {  	_ =	swait.ge [sflag:s26], $0x1  }
0xb3: {  	[sflag:s26] =	ssyncadd.s32 $0xFFFFFFFF  }
0xb4: {  	_ =	strace $0x90000048  }
0xb5: {  	_ =	sfence  }
0xb6: {  	s28 =	sld [smem:$0x0];
	_ =	sdelay $0x1  }
0xb7: {  	s29 =	srdreg.scid  }
0xb8: {  	s30 =	sshll.u32 s29, $0xD;
	s31 =	sshrl.u32 s29, $0x2  }
0xb9: {  	s1 =	sand.u32 $0x1, s29;
	s2 =	sand.u32 $0x4000, s30;
	s0 =	sadd.s32 s31, s28  }
0xba: {  	s1 =	sor.u32 s2, s1;
	s0 =	sshll.u32 s0, $0x11  }
0xbb: {  	s0 =	sor.u32 s0, s1  }
0xbc: {  	s0 =	sadd.s32 $0x8F2B, s0  }
0xbd: {  	[sflag:s0] =	ssyncadd.remote.s32 $0x1  }
0xbe: {  	_ =	sfence.sel $0xFFFF  }
0xbf: {  	[dreg:$0x0] =	wrdreg $0xFFFFFFFF;
	(pc) =	sbr.abs _section_cstart, $3  }
0xc0: {  	[dreg:$0x1] =	wrdreg $0xFFFFFFFF  }
0xc1: {  	_ =	task.clear_ibuf [dreg:s6], $0x2FFFF;
	_ =	strace $0x9FFFFFFF  }
0xc2: {  	(tm) =	ssettm $0x7FFFFFFF  }
0xc3: {  	_ =	shalt  }
tec
execute0_lowered:
.L_overlay_start_1:
0x0: {  	(tag) =	ssettag $0x1  }
0x1: {  	s3 =	rddreg [dreg:$0x0]  }
0x2: {  	s4 =	rddreg [dreg:$0x1]  }
0x3: {  	s5 =	rddreg [dreg:$0x2];
	s9 =	simm.s32 $0x0;
	s1 =	stileid.u32  }
0x4: {  	[smem:$0x7FF] =	sst s9;
	s2 =	sshll.u32 s1, $0x7  }
0x5: {  	s0 =	rddreg [dreg:$0x3];
	_ =	strace $0x80000047;
	s3 =	sadd.s32 s3, s2  }
0x6: {  	[tilespmem:s9], [sflag:$0x1] =	stream.linear.gather [hbm4b:s3+s9], $0x400, $0x38;
	[tilespmem:$0x1180] =	vst v63  }
0x7: {  	s8 =	simm.s32 $0x400;
	s25 =	sadd.s32 $0xC00, s4  }
0x8: {  	[tilespmem:s8], [sflag:$0x1] =	stream.linear.gather [hbm4b:s25+s9], $0x80, $0x38;
	[tilespmem:$0x1180] =	vst v63  }
0x9: {  	s7 =	simm.s32 $0x480;
	s26 =	sadd.s32 $0xA00, s4  }
0xa: {  	[tilespmem:s7], [sflag:$0x1] =	stream.linear.gather [hbm4b:s26+s9], $0x80, $0x38;
	[tilespmem:$0x1180] =	vst v63  }
0xb: {  	s6 =	simm.s32 $0x500;
	s28 =	simm.s32 $0x1  }
0xc: {  	[tilespmem:s6], [sflag:$0x1] =	stream.linear.gather [hbm4b:s5+s9], $0x80, $0x38;
	[tilespmem:$0x1180] =	vst v63  }
0xd: {  	_ =	swait.ge [sflag:s28], $0x400  }
0xe: {  	[sflag:s28] =	ssyncset.done $0x0  }
0xf: {  	[sflag:s28] =	ssyncadd.s32 $0xFFFFFC00  }
0x10: {  	_ =	swait.ge [sflag:s28], $0x80  }
0x11: {  	[sflag:s28] =	ssyncset.done $0x0  }
0x12: {  	[sflag:s28] =	ssyncadd.s32 $0xFFFFFF80  }
0x13: {  	_ =	swait.ge [sflag:s28], $0x80  }
0x14: {  	[sflag:s28] =	ssyncset.done $0x0  }
0x15: {  	[sflag:s28] =	ssyncadd.s32 $0xFFFFFF80  }
0x16: {  	_ =	swait.ge [sflag:s28], $0x80  }
0x17: {  	[sflag:s28] =	ssyncset.done $0x0  }
0x18: {  	s29 =	simm.s32 $0x20;
	[sflag:s28] =	ssyncadd.s32 $0xFFFFFF80  }
0x19: {  	v4 =	vld [tilespmem:s29+$0x10];
	_ =	sdelay $0x1  }
0x1a: {  	v6 =	vld [tilespmem:s29+$0xFFFFFFE0]  }
0x1b: {  	v7 =	vld [tilespmem:s29+$0xFFFFFFF0]  }
0x1c: {  	v9 =	vld [tilespmem:s29+$0x0];
	_ =	sdelay $0x1  }
0x1d: {  	s31 =	simm.s32 $0x60  }
0x1e: {  	v2 =	vld [tilespmem:s31+$0x10]  }
0x1f: {  	v0 =	vld.idx.msk [tilespmem:v4+s8+$0x0], $0xffff  }
0x20: {  	v1 =	vld [tilespmem:s31+$0xFFFFFFF0]  }
0x21: {  	v3 =	vld.idx.msk [tilespmem:v6+s8+$0x0], $0xffff  }
0x22: {  	v5 =	vld.idx.msk [tilespmem:v7+s8+$0x0], $0xffff  }
0x23: {  	s30 =	simm.s32 $0x5A0;
	v8 =	vld.idx.msk [tilespmem:v9+s8+$0x0], $0xffff  }
0x24: {  	[tilespmem:s30+$0x10] =	vst v0;
	v0 =	vld [tilespmem:s31+$0x0]  }
0x25: {  	v10 =	vld.idx.msk [tilespmem:v4+s7+$0x0], $0xffff  }
0x26: {  	[tilespmem:s30+$0xFFFFFFE0] =	vst v3;
	v3 =	vld [tilespmem:s31+$0xFFFFFFE0]  }
0x27: {  	v11 =	vld.idx.msk [tilespmem:v6+s7+$0x0], $0xffff  }
0x28: {  	v13 =	vld.idx.msk [tilespmem:v2+s8+$0x0], $0xffff;
	[tilespmem:s30+$0xFFFFFFF0] =	vst v5  }
0x29: {  	s9 =	simm.s32 $0x9A0;
	[tilespmem:s30+$0x0] =	vst v8;
	v12 =	vld.idx.msk [tilespmem:v7+s7+$0x0], $0xffff  }
0x2a: {  	[tilespmem:s9+$0x10] =	vst v10;
	v10 =	vld.idx.msk [tilespmem:v9+s7+$0x0], $0xffff  }
0x2b: {  	v4 =	vld.idx.msk [tilespmem:v4+s6+$0x0], $0xffff  }
0x2c: {  	v14 =	vld.idx.msk [tilespmem:v1+s8+$0x0], $0xffff;
	[tilespmem:s9+$0xFFFFFFE0] =	vst v11  }
0x2d: {  	v6 =	vld.idx.msk [tilespmem:v6+s6+$0x0], $0xffff  }
0x2e: {  	[tilespmem:s9+$0xFFFFFFF0] =	vst v12;
	v5 =	vld.idx.msk [tilespmem:v0+s8+$0x0], $0xffff  }
0x2f: {  	s10 =	simm.s32 $0xDA0;
	v8 =	vld.idx.msk [tilespmem:v3+s8+$0x0], $0xffff;
	[tilespmem:s9+$0x0] =	vst v10  }
0x30: {  	s11 =	simm.s32 $0x5E0;
	[tilespmem:s10+$0x10] =	vst v4;
	v4 =	vld.idx.msk [tilespmem:v7+s6+$0x0], $0xffff  }
0x31: {  	s12 =	simm.s32 $0x40;
	s13 =	simm.s32 $0xA0;
	[tilespmem:s11+$0x10] =	vst v13;
	v7 =	vld.idx.msk [tilespmem:v9+s6+$0x0], $0xffff  }
0x32: {  	s3 =	sadd.s32 $0x1600, s4;
	s5 =	sadd.s32 $0xE00, s4;
	s4 =	sadd.s32 $0x1E00, s4;
	[tilespmem:s11+$0xFFFFFFF0] =	vst v14;
	v9 =	vld.idx.msk [tilespmem:v2+s7+$0x0], $0xffff  }
.LBB2_1:
0x33: {  	v10 =	vld [tilespmem:s13+$0x10];
	s12 =	sadd.s32 $0x40, s12;
	[tilespmem:s11+$0x0] =	vst v5  }
0x34: {  	v11 =	vld [tilespmem:s13+$0xFFFFFFF0];
	p0 =	slt.u32 s12, $0x1C0;
	[tilespmem:s11+$0xFFFFFFE0] =	vst v8  }
0x35: {  	v12 =	vld [tilespmem:s13+$0x0];
	[tilespmem:s10+$0xFFFFFFE0] =	vst v6  }
0x36: {  	v13 =	vld [tilespmem:s13+$0xFFFFFFE0];
	[tilespmem:s10+$0xFFFFFFF0] =	vst v4  }
0x37: {  	s9 =	sadd.s32 $0x40, s9;
	v4 =	vld.idx.msk [tilespmem:v3+s7+$0x0], $0xffff;
	[tilespmem:s10+$0x0] =	vst v7  }
0x38: {  	v6 =	vld.idx.msk [tilespmem:v1+s7+$0x0], $0xffff;
	[tilespmem:s9+$0x10] =	vst v9  }
0x39: {  	v7 =	vld.idx.msk [tilespmem:v2+s6+$0x0], $0xffff;
	v2 =	vmov v10  }
0x3a: {  	v9 =	vld.idx.msk [tilespmem:v0+s7+$0x0], $0xffff  }
0x3b: {  	v10 =	vld.idx.msk [tilespmem:v10+s8+$0x0], $0xffff  }
0x3c: {  	v14 =	vld.idx.msk [tilespmem:v11+s8+$0x0], $0xffff  }
0x3d: {  	v5 =	vld.idx.msk [tilespmem:v12+s8+$0x0], $0xffff;
	[tilespmem:s9+$0xFFFFFFE0] =	vst v4  }
.Ltmp0:
0x3e: {  	s10 =	sadd.s32 $0x40, s10;
	v8 =	vld.idx.msk [tilespmem:v13+s8+$0x0], $0xffff;
	[tilespmem:s9+$0xFFFFFFF0] =	vst v6;
	(pc) =	sbr.rel @p0 .LBB2_1-.Ltmp0, $4  }
0x3f: {  	v6 =	vld.idx.msk [tilespmem:v3+s6+$0x0], $0xffff;
	[tilespmem:s10+$0x10] =	vst v7;
	v3 =	vmov v13  }
0x40: {  	s11 =	sadd.s32 $0x40, s11;
	v4 =	vld.idx.msk [tilespmem:v1+s6+$0x0], $0xffff;
	[tilespmem:s9+$0x0] =	vst v9;
	v1 =	vmov v11  }
0x41: {  	[tilespmem:s11+$0x10] =	vst v10;
	v7 =	vld.idx.msk [tilespmem:v0+s6+$0x0], $0xffff;
	v0 =	vmov v12  }
0x42: {  	s13 =	sadd.s32 $0x40, s13;
	[tilespmem:s11+$0xFFFFFFF0] =	vst v14;
	v9 =	vld.idx.msk [tilespmem:v2+s7+$0x0], $0xffff  }
0x43: {  	_ =	sdelay $0x2  }
0x44: {  	[tilespmem:s11+$0xFFFFFFE0] =	vst v8  }
0x45: {  	[tilespmem:s11+$0x0] =	vst v5;
	v5 =	vld.idx.msk [tilespmem:v1+s7+$0x0], $0xffff  }
0x46: {  	v8 =	vld.idx.msk [tilespmem:v3+s7+$0x0], $0xffff  }
0x47: {  	v10 =	vld.idx.msk [tilespmem:v0+s7+$0x0], $0xffff  }
0x48: {  	s20 =	sadd.s32 $0x40, s9;
	[tilespmem:s10+$0xFFFFFFE0] =	vst v6  }
0x49: {  	[tilespmem:s20+$0x10] =	vst v9  }
0x4a: {  	v2 =	vld.idx.msk [tilespmem:v2+s6+$0x0], $0xffff;
	[tilespmem:s20+$0xFFFFFFF0] =	vst v5  }
0x4b: {  	[tilespmem:s20+$0xFFFFFFE0] =	vst v8;
	v1 =	vld.idx.msk [tilespmem:v1+s6+$0x0], $0xffff  }
0x4c: {  	[tilespmem:s20+$0x0] =	vst v10;
	v3 =	vld.idx.msk [tilespmem:v3+s6+$0x0], $0xffff  }
0x4d: {  	[tilespmem:s10+$0xFFFFFFF0] =	vst v4;
	v0 =	vld.idx.msk [tilespmem:v0+s6+$0x0], $0xffff  }
0x4e: {  	s21 =	sadd.s32 $0x40, s10;
	[tilespmem:s10+$0x0] =	vst v7  }
0x4f: {  	[tilespmem:s21+$0x10] =	vst v2  }
0x50: {  	[tilespmem:s21+$0xFFFFFFF0] =	vst v1  }
0x51: {  	[tilespmem:s21+$0xFFFFFFE0] =	vst v3  }
0x52: {  	s22 =	sadd.s32 s5, s2;
	s23 =	simm.s32 $0x0;
	s8 =	simm.s32 $0x580;
	[tilespmem:s21+$0x0] =	vst v0  }
0x53: {  	[hbm4b:s22+s23] =	stream.linear.scatter [tilespmem:s8], [sflag:$0x1], $0x200, $0x38;
	[tilespmem:$0x1180] =	vst v63  }
0x54: {  	s24 =	sadd.s32 s3, s2;
	s25 =	simm.s32 $0x980  }
0x55: {  	[hbm4b:s24+s23] =	stream.linear.scatter [tilespmem:s25], [sflag:$0x1], $0x200, $0x38;
	[tilespmem:$0x1180] =	vst v63  }
0x56: {  	s26 =	sadd.s32 s4, s2;
	s28 =	simm.s32 $0xD80;
	s29 =	simm.s32 $0x230  }
0x57: {  	[hbm4b:s26+s23] =	stream.linear.scatter [tilespmem:s28], [sflag:$0x1], $0x200, $0x38;
	[tilespmem:$0x1180] =	vst v63  }
0x58: {  	v4 =	vld [tilespmem:s29+$0x0];
	_ =	sdelay $0x1  }
0x59: {  	v7 =	vld [tilespmem:s29+$0xFFFFFFD0]  }
0x5a: {  	v6 =	vld [tilespmem:s29+$0xFFFFFFE0]  }
0x5b: {  	v9 =	vld [tilespmem:s29+$0xFFFFFFF0];
	_ =	sdelay $0x1  }
0x5c: {  	s31 =	simm.s32 $0x270  }
0x5d: {  	s7 =	simm.s32 $0x400;
	v2 =	vld [tilespmem:s31+$0x0]  }
0x5e: {  	v0 =	vld.idx.msk [tilespmem:v4+s7+$0x0], $0xffff  }
0x5f: {  	v1 =	vld [tilespmem:s31+$0xFFFFFFE0]  }
0x60: {  	v3 =	vld.idx.msk [tilespmem:v7+s7+$0x0], $0xffff  }
0x61: {  	v5 =	vld.idx.msk [tilespmem:v6+s7+$0x0], $0xffff  }
0x62: {  	s30 =	simm.s32 $0x7B0;
	v8 =	vld.idx.msk [tilespmem:v9+s7+$0x0], $0xffff  }
0x63: {  	s6 =	simm.s32 $0x480;
	[tilespmem:s30+$0x0] =	vst v0;
	v0 =	vld [tilespmem:s31+$0xFFFFFFF0]  }
0x64: {  	v10 =	vld.idx.msk [tilespmem:v4+s6+$0x0], $0xffff  }
0x65: {  	[tilespmem:s30+$0xFFFFFFD0] =	vst v3;
	v3 =	vld [tilespmem:s31+$0xFFFFFFD0]  }
0x66: {  	v11 =	vld.idx.msk [tilespmem:v7+s6+$0x0], $0xffff  }
0x67: {  	v13 =	vld.idx.msk [tilespmem:v2+s7+$0x0], $0xffff;
	[tilespmem:s30+$0xFFFFFFE0] =	vst v5  }
0x68: {  	s9 =	simm.s32 $0xBB0;
	[tilespmem:s30+$0xFFFFFFF0] =	vst v8;
	v12 =	vld.idx.msk [tilespmem:v6+s6+$0x0], $0xffff  }
0x69: {  	s8 =	simm.s32 $0x500;
	[tilespmem:s9+$0x0] =	vst v10;
	v10 =	vld.idx.msk [tilespmem:v9+s6+$0x0], $0xffff  }
0x6a: {  	v4 =	vld.idx.msk [tilespmem:v4+s8+$0x0], $0xffff  }
0x6b: {  	v14 =	vld.idx.msk [tilespmem:v1+s7+$0x0], $0xffff;
	[tilespmem:s9+$0xFFFFFFD0] =	vst v11  }
0x6c: {  	v7 =	vld.idx.msk [tilespmem:v7+s8+$0x0], $0xffff  }
0x6d: {  	[tilespmem:s9+$0xFFFFFFE0] =	vst v12;
	v5 =	vld.idx.msk [tilespmem:v0+s7+$0x0], $0xffff  }
0x6e: {  	s10 =	simm.s32 $0xFB0;
	v8 =	vld.idx.msk [tilespmem:v3+s7+$0x0], $0xffff;
	[tilespmem:s9+$0xFFFFFFF0] =	vst v10  }
0x6f: {  	s11 =	simm.s32 $0x7F0;
	[tilespmem:s10+$0x0] =	vst v4;
	v4 =	vld.idx.msk [tilespmem:v6+s8+$0x0], $0xffff  }
0x70: {  	[tilespmem:s11+$0x0] =	vst v13;
	v6 =	vld.idx.msk [tilespmem:v9+s8+$0x0], $0xffff  }
0x71: {  	s12 =	simm.s32 $0x240;
	s13 =	simm.s32 $0x2B0;
	[tilespmem:s11+$0xFFFFFFE0] =	vst v14;
	v9 =	vld.idx.msk [tilespmem:v2+s6+$0x0], $0xffff  }
.LBB2_3:
0x72: {  	v10 =	vld [tilespmem:s13+$0x0];
	s12 =	sadd.s32 $0x40, s12;
	[tilespmem:s11+$0xFFFFFFF0] =	vst v5  }
0x73: {  	v11 =	vld [tilespmem:s13+$0xFFFFFFE0];
	p0 =	slt.u32 s12, $0x3C0;
	[tilespmem:s11+$0xFFFFFFD0] =	vst v8  }
0x74: {  	v12 =	vld [tilespmem:s13+$0xFFFFFFF0];
	[tilespmem:s10+$0xFFFFFFD0] =	vst v7  }
0x75: {  	v13 =	vld [tilespmem:s13+$0xFFFFFFD0];
	[tilespmem:s10+$0xFFFFFFE0] =	vst v4  }
0x76: {  	s9 =	sadd.s32 $0x40, s9;
	v4 =	vld.idx.msk [tilespmem:v3+s6+$0x0], $0xffff;
	[tilespmem:s10+$0xFFFFFFF0] =	vst v6  }
0x77: {  	v6 =	vld.idx.msk [tilespmem:v1+s6+$0x0], $0xffff;
	[tilespmem:s9+$0x0] =	vst v9  }
0x78: {  	v9 =	vld.idx.msk [tilespmem:v2+s8+$0x0], $0xffff;
	v2 =	vmov v10  }
0x79: {  	v14 =	vld.idx.msk [tilespmem:v0+s6+$0x0], $0xffff  }
0x7a: {  	v10 =	vld.idx.msk [tilespmem:v10+s7+$0x0], $0xffff  }
0x7b: {  	v15 =	vld.idx.msk [tilespmem:v11+s7+$0x0], $0xffff  }
0x7c: {  	v5 =	vld.idx.msk [tilespmem:v12+s7+$0x0], $0xffff;
	[tilespmem:s9+$0xFFFFFFD0] =	vst v4  }
.Ltmp1:
0x7d: {  	s10 =	sadd.s32 $0x40, s10;
	v8 =	vld.idx.msk [tilespmem:v13+s7+$0x0], $0xffff;
	[tilespmem:s9+$0xFFFFFFE0] =	vst v6;
	(pc) =	sbr.rel @p0 .LBB2_3-.Ltmp1, $4  }
0x7e: {  	v7 =	vld.idx.msk [tilespmem:v3+s8+$0x0], $0xffff;
	[tilespmem:s10+$0x0] =	vst v9;
	v3 =	vmov v13  }
0x7f: {  	s11 =	sadd.s32 $0x40, s11;
	v4 =	vld.idx.msk [tilespmem:v1+s8+$0x0], $0xffff;
	[tilespmem:s9+$0xFFFFFFF0] =	vst v14;
	v1 =	vmov v11  }
0x80: {  	[tilespmem:s11+$0x0] =	vst v10;
	v6 =	vld.idx.msk [tilespmem:v0+s8+$0x0], $0xffff;
	v0 =	vmov v12  }
0x81: {  	s13 =	sadd.s32 $0x40, s13;
	[tilespmem:s11+$0xFFFFFFE0] =	vst v15;
	v9 =	vld.idx.msk [tilespmem:v2+s6+$0x0], $0xffff  }
0x82: {  	_ =	sdelay $0x3  }
0x83: {  	[tilespmem:s11+$0xFFFFFFD0] =	vst v8;
	v60 =	vld.idx.msk [tilespmem:v1+s6+$0x0], $0xffff  }
0x84: {  	[tilespmem:s11+$0xFFFFFFF0] =	vst v5;
	v8 =	vld.idx.msk [tilespmem:v3+s6+$0x0], $0xffff  }
0x85: {  	v10 =	vld.idx.msk [tilespmem:v0+s6+$0x0], $0xffff  }
0x86: {  	s25 =	sadd.s32 $0x40, s9;
	[tilespmem:s10+$0xFFFFFFD0] =	vst v7  }
0x87: {  	[tilespmem:s25+$0x0] =	vst v9  }
0x88: {  	v2 =	vld.idx.msk [tilespmem:v2+s8+$0x0], $0xffff;
	[tilespmem:s25+$0xFFFFFFE0] =	vst v60  }
0x89: {  	[tilespmem:s25+$0xFFFFFFD0] =	vst v8;
	v62 =	vld.idx.msk [tilespmem:v1+s8+$0x0], $0xffff  }
0x8a: {  	[tilespmem:s25+$0xFFFFFFF0] =	vst v10;
	v61 =	vld.idx.msk [tilespmem:v3+s8+$0x0], $0xffff  }
0x8b: {  	[tilespmem:s10+$0xFFFFFFE0] =	vst v4;
	v63 =	vld.idx.msk [tilespmem:v0+s8+$0x0], $0xffff  }
0x8c: {  	s26 =	sadd.s32 $0x40, s10;
	[tilespmem:s10+$0xFFFFFFF0] =	vst v6  }
0x8d: {  	[tilespmem:s26+$0x0] =	vst v2  }
0x8e: {  	[tilespmem:s26+$0xFFFFFFE0] =	vst v62  }
0x8f: {  	s2 =	sor.u32 $0x40, s2;
	[tilespmem:s26+$0xFFFFFFD0] =	vst v61  }
0x90: {  	s28 =	simm.s32 $0x0;
	s7 =	simm.s32 $0x780;
	s5 =	sadd.s32 s5, s2;
	[tilespmem:s26+$0xFFFFFFF0] =	vst v63  }
0x91: {  	[hbm4b:s5+s28] =	stream.linear.scatter [tilespmem:s7], [sflag:$0x1], $0x200, $0x38;
	[tilespmem:$0x1180] =	vst v63  }
0x92: {  	s29 =	simm.s32 $0xB80;
	s3 =	sadd.s32 s3, s2  }
0x93: {  	[hbm4b:s3+s28] =	stream.linear.scatter [tilespmem:s29], [sflag:$0x1], $0x200, $0x38;
	[tilespmem:$0x1180] =	vst v63  }
0x94: {  	s30 =	simm.s32 $0xF80;
	s31 =	simm.s32 $0x1;
	s2 =	sadd.s32 s4, s2  }
0x95: {  	[hbm4b:s2+s28] =	stream.linear.scatter [tilespmem:s30], [sflag:$0x1], $0x200, $0x38;
	[tilespmem:$0x1180] =	vst v63  }
0x96: {  	_ =	swait.ge [sflag:s31], $0x200  }
0x97: {  	[sflag:s31] =	ssyncset.done $0x0  }
0x98: {  	[sflag:s31] =	ssyncadd.s32 $0xFFFFFE00  }
0x99: {  	_ =	swait.ge [sflag:s31], $0x200  }
0x9a: {  	[sflag:s31] =	ssyncset.done $0x0  }
0x9b: {  	[sflag:s31] =	ssyncadd.s32 $0xFFFFFE00  }
0x9c: {  	_ =	swait.ge [sflag:s31], $0x200  }
0x9d: {  	[sflag:s31] =	ssyncset.done $0x0  }
0x9e: {  	[sflag:s31] =	ssyncadd.s32 $0xFFFFFE00  }
0x9f: {  	_ =	swait.ge [sflag:s31], $0x200  }
0xa0: {  	[sflag:s31] =	ssyncset.done $0x0  }
0xa1: {  	[sflag:s31] =	ssyncadd.s32 $0xFFFFFE00  }
0xa2: {  	_ =	swait.ge [sflag:s31], $0x200  }
0xa3: {  	[sflag:s31] =	ssyncset.done $0x0  }
0xa4: {  	[sflag:s31] =	ssyncadd.s32 $0xFFFFFE00  }
0xa5: {  	_ =	swait.ge [sflag:s31], $0x200  }
0xa6: {  	[sflag:s31] =	ssyncset.done $0x0  }
0xa7: {  	[sflag:s31] =	ssyncadd.s32 $0xFFFFFE00  }
0xa8: {  	_ =	sfence.sel $0x180000  }
0xa9: {  	[bflag:$0x0] =	sbarrier.arrive $0xFFFF  }
0xaa: {  	p0 =	sne.s32 s1, $0x0;
	_ =	strace $0x90000047  }
0xab: {  	s0 =	sadd.s32 @!p0 $0x100000, s0;
	[bflag:$0x2] =	sbarrier.arrive $0xFFFF  }
0xac: {  	[sflag:s0] =	ssyncadd.tile.s32 @!p0 $0x1;
	_ =	shalt  }
.Lfunc_end2:
_tile_overlayer_lowered:
.L_overlay_start_2:
0xad: {  	(tag) =	ssettag $0x2  }
0xae: {  	s0 =	rddreg [dreg:$0x0];
	s2 =	stileid.u32  }
0xaf: {  	s1 =	rddreg [dreg:$0x1];
	p0 =	sne.s32 s2, $0x0  }
0xb0: {  	s3 =	rddreg [dreg:$0x2];
	[bflag:$0x3] =	sbarrier.arrive $0xFFFF;
	s2 =	simm.s32 @!p0 $0x1C02  }
0xb1: {  	[timem:s3], [sflag:s2] =	dma.local @!p0 [hbm:s0], s1  }
0xb2: {  	s0 =	simm.s32 @!p0 $0x2  }
0xb3: {  	_ =	swait.ge @!p0 [sflag:s0], s1  }
0xb4: {  	s1 =	ssub.s32 @!p0 $0x0, s1;
	[sflag:s0] =	ssyncset.done @!p0 $0x0  }
0xb5: {  	[sflag:s0] =	ssyncadd.s32 @!p0 s1  }
0xb6: {  	[bflag:$0x3] =	sbarrier.arrive $0xFFFF  }
0xb7: {  	_ =	shalt  }

</sc_bundles>
